<compile_context>
chip_gen: v7x
topology: tpu7x:2x2x1
jax: 0.10.2.dev20260603
libtpu: 0.0.44.dev20260713+nightly
codegen_flags: <defaults>
</compile_context>

<pallas_src>
import functools

import jax
import jax.numpy as jnp
from jax import lax
from jax.experimental import pallas as pl
from jax.experimental.pallas import tpu as pltpu
from jax.experimental.pallas import tpu_sc as plsc

VOCAB = 100000
EMB = 64
HIDDEN = 256
CTX = 20
BATCH = 1024

_FEXP_A = 12102203.161561485
_FEXP_B = 1064866805.0

VT = 2048
NV = (VOCAB + VT - 1) // VT
VT2 = 2048
NV2 = (VOCAB + VT2 - 1) // VT2


@functools.cache
def _make_sc_gather():
    info = plsc.get_sparse_core_info()
    nc, ns = info.num_cores, info.num_subcores
    nw = nc * ns
    b_total = BATCH * CTX
    b_per_w = b_total // nw
    mesh = plsc.VectorSubcoreMesh(core_axis_name="c", subcore_axis_name="s")

    @functools.partial(
        pl.kernel,
        mesh=mesh,
        out_type=jax.ShapeDtypeStruct((b_total, EMB), jnp.float32),
        scratch_types=[
            pltpu.VMEM((b_per_w,), jnp.int32),
            pltpu.VMEM((b_per_w, EMB), jnp.float32),
            pltpu.SemaphoreType.DMA,
        ],
        compiler_params=pltpu.CompilerParams(use_tc_tiling_on_sc=False),
    )
    def gather_kernel(table_hbm, idx_hbm, out_hbm, idx_v, rows_v, sem):
        wid = lax.axis_index("s") * nc + lax.axis_index("c")
        base = wid * b_per_w
        pltpu.sync_copy(idx_hbm.at[pl.ds(base, b_per_w)], idx_v)
        pltpu.async_copy(table_hbm.at[idx_v], rows_v, sem).wait()
        pltpu.sync_copy(rows_v, out_hbm.at[pl.ds(base, b_per_w)])

    return gather_kernel


def _h_body(embs_ref, w1_ref, b1_ref, h_out):
    h = lax.dot_general(
        embs_ref[...], w1_ref[...],
        (((1,), (1,)), ((), ())), preferred_element_type=jnp.float32)
    h_out[...] = jnp.maximum(h + b1_ref[...], 0.0).astype(jnp.bfloat16)


@functools.cache
def _make_h():
    return pl.pallas_call(
        _h_body,
        out_shape=jax.ShapeDtypeStruct((BATCH, HIDDEN), jnp.bfloat16),
    )


def _pass1_body(h_ref, w2_ref, b2_ref, logz_out, s_sc):
    j = pl.program_id(0)

    @pl.when(j == 0)
    def _init():
        s_sc[...] = jnp.zeros((BATCH, 128), jnp.float32)

    row = lax.broadcasted_iota(jnp.int32, (VT, 1), 0)
    w2b = jnp.where(j * VT + row < VOCAB, w2_ref[...], 0.0).astype(jnp.bfloat16)
    col = j * VT + lax.broadcasted_iota(jnp.int32, (1, VT), 1)
    b2m = jnp.where(col < VOCAB, b2_ref[...], -jnp.inf)
    logits = lax.dot_general(
        h_ref[...], w2b,
        (((1,), (1,)), ((), ())), preferred_element_type=jnp.float32)
    d = b2m * _FEXP_A + _FEXP_B
    t = jnp.maximum(logits * _FEXP_A + d, 0.0)
    e = lax.bitcast_convert_type(t.astype(jnp.int32), jnp.float32)
    tot = e[:, 0:128]
    for k in range(1, VT // 128):
        tot = tot + e[:, k * 128:(k + 1) * 128]
    s_sc[...] += tot

    @pl.when(j == NV - 1)
    def _fin():
        logz_out[...] = jnp.log(jnp.sum(s_sc[...], axis=1, keepdims=True))


@functools.cache
def _make_pass1():
    return pl.pallas_call(
        _pass1_body,
        grid=(NV,),
        in_specs=[
            pl.BlockSpec((BATCH, HIDDEN), lambda j: (0, 0)),
            pl.BlockSpec((VT, HIDDEN), lambda j: (j, 0)),
            pl.BlockSpec((1, VT), lambda j: (0, j)),
        ],
        out_specs=pl.BlockSpec((BATCH, 1), lambda j: (0, 0)),
        out_shape=jax.ShapeDtypeStruct((BATCH, 1), jnp.float32),
        scratch_shapes=[
            pltpu.VMEM((BATCH, 128), jnp.float32),
        ],
        compiler_params=pltpu.CompilerParams(
            dimension_semantics=("arbitrary",)),
    )


NBUF = 3
NSPLIT = 2
RS = BATCH // NSPLIT
NFULL = NV2 - 1


def _pass2_body(h_ref, w2b_ref, b2_ref, logz_ref, out_hbm, buf, sems):
    j = pl.program_id(0)
    slot = lax.rem(j, NBUF)

    @pl.when(j >= NBUF)
    def _reclaim():
        for k in range(NSPLIT):
            pltpu.make_async_copy(
                buf.at[slot, pl.ds(k * RS, RS)],
                out_hbm.at[pl.ds(k * RS, RS), pl.ds(0, VT2)],
                sems.at[slot, k]).wait()

    logits = lax.dot_general(
        h_ref[...], w2b_ref[...].astype(jnp.bfloat16),
        (((1,), (1,)), ((), ())), preferred_element_type=jnp.float32)
    buf[slot] = logits + b2_ref[...] - logz_ref[...]

    for k in range(NSPLIT):
        pltpu.make_async_copy(
            buf.at[slot, pl.ds(k * RS, RS)],
            out_hbm.at[pl.ds(k * RS, RS), pl.ds(j * VT2, VT2)],
            sems.at[slot, k]).start()

    @pl.when(j == NFULL - 1)
    def _drain():
        for d in range(NBUF):
            s2 = (NFULL - 1 - d) % NBUF
            for k in range(NSPLIT):
                pltpu.make_async_copy(
                    buf.at[s2, pl.ds(k * RS, RS)],
                    out_hbm.at[pl.ds(k * RS, RS), pl.ds(0, VT2)],
                    sems.at[s2, k]).wait()


@functools.cache
def _make_pass2():
    return pl.pallas_call(
        _pass2_body,
        grid=(NFULL,),
        in_specs=[
            pl.BlockSpec((BATCH, HIDDEN), lambda j: (0, 0)),
            pl.BlockSpec((VT2, HIDDEN), lambda j: (j, 0)),
            pl.BlockSpec((1, VT2), lambda j: (0, j)),
            pl.BlockSpec((BATCH, 1), lambda j: (0, 0)),
        ],
        out_specs=pl.BlockSpec(memory_space=pl.ANY),
        out_shape=jax.ShapeDtypeStruct((BATCH, VOCAB), jnp.float32),
        scratch_shapes=[
            pltpu.VMEM((NBUF, BATCH, VT2), jnp.float32),
            pltpu.SemaphoreType.DMA((NBUF, NSPLIT)),
        ],
        compiler_params=pltpu.CompilerParams(
            dimension_semantics=("arbitrary",)),
    )


def _tail_body(out_alias, h_ref, w2b_ref, b2_ref, logz_ref, out_ref):
    del out_alias
    logits = lax.dot_general(
        h_ref[...], w2b_ref[...].astype(jnp.bfloat16),
        (((1,), (1,)), ((), ())), preferred_element_type=jnp.float32)
    out_ref[...] = logits + b2_ref[...] - logz_ref[...]


@functools.cache
def _make_tail():
    return pl.pallas_call(
        _tail_body,
        grid=(1,),
        in_specs=[
            pl.BlockSpec(memory_space=pl.ANY),
            pl.BlockSpec((BATCH, HIDDEN), lambda j: (0, 0)),
            pl.BlockSpec((VT2, HIDDEN), lambda j: (NFULL, 0)),
            pl.BlockSpec((1, VT2), lambda j: (0, NFULL)),
            pl.BlockSpec((BATCH, 1), lambda j: (0, 0)),
        ],
        out_specs=pl.BlockSpec((BATCH, VT2), lambda j: (0, NFULL)),
        out_shape=jax.ShapeDtypeStruct((BATCH, VOCAB), jnp.float32),
        input_output_aliases={0: 0},
        compiler_params=pltpu.CompilerParams(
            dimension_semantics=("arbitrary",)),
    )


def kernel(seq, emb_table, W1, b1, W2, b2):
    idx = seq.reshape(-1)
    rows = _make_sc_gather()(emb_table, idx)
    embs = rows.reshape(BATCH, CTX * EMB)
    h_bf = _make_h()(embs, W1, b1.reshape(1, HIDDEN))
    logz = _make_pass1()(h_bf, W2, b2.reshape(1, VOCAB))
    b2r = b2.reshape(1, VOCAB)
    out = _make_pass2()(h_bf, W2, b2r, logz)
    return _make_tail()(out, h_bf, W2, b2r, logz)

# --- scband reference (transcript-rebuilt; emitter-appended) ---
"""Pipeline reference for scband-cbow-2413771620801 (READ-ONLY COPY).

The authoritative reference and input builder live on the scoring server;
editing this copy changes nothing except your own understanding.
"""

import jax, jax.numpy as jnp
import numpy as np

VOCAB = 100000
EMB = 64
HIDDEN = 256
CTX = 20
BATCH = 1024


def setup_inputs(seed: int = 0) -> dict:
    key = jax.random.key(seed)
    k_seq, k_emb, k_w1, k_b1, k_w2, k_b2 = jax.random.split(key, 6)
    seq = jax.random.randint(k_seq, (BATCH, CTX), 0, VOCAB, dtype=jnp.int64 if jax.config.jax_enable_x64 else jnp.int32).astype(jnp.int32)
    emb_table = jax.random.normal(k_emb, (VOCAB, EMB), dtype=jnp.float32)
    # torch nn.Linear weights: [out_features, in_features]
    W1 = jax.random.normal(k_w1, (HIDDEN, CTX * EMB), dtype=jnp.float32) * (1.0 / np.sqrt(CTX * EMB))
    b1 = jax.random.normal(k_b1, (HIDDEN,), dtype=jnp.float32) * 0.01
    W2 = jax.random.normal(k_w2, (VOCAB, HIDDEN), dtype=jnp.float32) * (1.0 / np.sqrt(HIDDEN))
    b2 = jax.random.normal(k_b2, (VOCAB,), dtype=jnp.float32) * 0.01
    return {"seq": seq, "emb_table": emb_table, "W1": W1, "b1": b1, "W2": W2, "b2": b2}


def reference(seq, emb_table, W1, b1, W2, b2):
    # embedding lookup (gather)
    embs = jnp.take(emb_table, seq, axis=0)          # [B, CTX, EMB]
    embs = embs.reshape(seq.shape[0], CTX * EMB)      # [B, CTX*EMB]
    h = jnp.maximum(embs @ W1.T + b1, 0.0)            # Linear + ReLU
    logits = h @ W2.T + b2                            # Linear to vocab
    return jax.nn.log_softmax(logits, axis=1)

if __name__ == "__main__":
    import jax
    _d = setup_inputs()
    print(jax.jit(kernel)(*tuple(_d.values())))

</pallas_src>

<mosaic_0001>
#map = affine_map<(d0, d1) -> (0, 0)>
#map1 = affine_map<(d0, d1) -> (0)>
module attributes {stable_mosaic.version = 14 : i64} {
  func.func @gather_kernel(%arg0: i32, %arg1: i32, %arg2: memref<100000x64xf32, #tpu.memory_space<hbm>>, %arg3: memref<20480xi32, #tpu.memory_space<hbm>>, %arg4: memref<20480x64xf32, #tpu.memory_space<hbm>>, %arg5: memref<640xi32, #tpu.memory_space<vmem>>, %arg6: memref<640x64xf32, #tpu.memory_space<vmem>>, %arg7: memref<!tpu.dma_semaphore, #tpu.memory_space<semaphore_mem>>) attributes {dimension_semantics = [#tpu.dimension_semantics<core_parallel>, #tpu.dimension_semantics<subcore_parallel>], iteration_bounds = array<i64: 2, 16>, scalar_prefetch = 0 : i64, scratch_operands = 3 : i64, tpu.core_type = #tpu.core_type<sc_vector_subcore>, window_params = [{transform_indices = #map}, {transform_indices = #map1}, {transform_indices = #map}]} {
    %mul3A = arith.constant 2 : i32
    %mul3A_0 = arith.muli %arg1, %mul3A : i32
    %add3A = arith.addi %mul3A_0, %arg0 : i32
    %mul3A_1 = arith.constant 640 : i32
    %mul3A_2 = arith.muli %add3A, %mul3A_1 : i32
    "tpu.region"() ({
      %run_scoped3A = tpu.sem_alloc : memref<!tpu.dma_semaphore, #tpu.memory_space<semaphore_mem>>
      %dma_start3A_7 = tpu.memref_slice %arg3[%mul3A_2] : memref<20480xi32, #tpu.memory_space<hbm>> -> memref<640xi32, #tpu.memory_space<hbm>>
      %dma_start3A_8 = tpu.memref_slice %arg3[%mul3A_2] : memref<20480xi32, #tpu.memory_space<hbm>> -> memref<640xi32, #tpu.memory_space<hbm>>
      tpu.enqueue_dma source(%dma_start3A_8 : memref<640xi32, #tpu.memory_space<hbm>>) target(%arg5 : memref<640xi32, #tpu.memory_space<vmem>>) target_semaphore(%run_scoped3A : memref<!tpu.dma_semaphore, #tpu.memory_space<semaphore_mem>>)
      %dma_wait3A_9 = tpu.memref_slice %arg3[%mul3A_2] : memref<20480xi32, #tpu.memory_space<hbm>> -> memref<640xi32, #tpu.memory_space<hbm>>
      %dma_wait3A_10 = tpu.memref_slice %arg3[%mul3A_2] : memref<20480xi32, #tpu.memory_space<hbm>> -> memref<640xi32, #tpu.memory_space<hbm>>
      tpu.wait_dma2 semaphore(%run_scoped3A : memref<!tpu.dma_semaphore, #tpu.memory_space<semaphore_mem>>) src(%dma_wait3A_10 : memref<640xi32, #tpu.memory_space<hbm>>) dst(%arg5 : memref<640xi32, #tpu.memory_space<vmem>>)
      tpu.yield
    }) : () -> ()
    %dma_start3A = arith.constant 0 : i32
    %dma_start3A_3 = arith.constant 0 : i32
    %dma_start3A_4 = tpu.memref_slice %arg2[%dma_start3A, %dma_start3A_3] : memref<100000x64xf32, #tpu.memory_space<hbm>> -> memref<100000x64xf32, #tpu.memory_space<hbm>>
    tpu.enqueue_indirect_dma source(%dma_start3A_4 : memref<100000x64xf32, #tpu.memory_space<hbm>>) target(%arg6 : memref<640x64xf32, #tpu.memory_space<vmem>>) offsets(%arg5 : memref<640xi32, #tpu.memory_space<vmem>>) semaphore(%arg7 : memref<!tpu.dma_semaphore, #tpu.memory_space<semaphore_mem>>)
    %dma_wait3A = arith.constant 0 : i32
    %dma_wait3A_5 = arith.constant 0 : i32
    %dma_wait3A_6 = tpu.memref_slice %arg2[%dma_wait3A, %dma_wait3A_5] : memref<100000x64xf32, #tpu.memory_space<hbm>> -> memref<100000x64xf32, #tpu.memory_space<hbm>>
    tpu.wait_indirect_dma semaphore(%arg7 : memref<!tpu.dma_semaphore, #tpu.memory_space<semaphore_mem>>) src(%dma_wait3A_6 : memref<100000x64xf32, #tpu.memory_space<hbm>>) dst(%arg6 : memref<640x64xf32, #tpu.memory_space<vmem>>)
    "tpu.region"() ({
      %run_scoped3A = tpu.sem_alloc : memref<!tpu.dma_semaphore, #tpu.memory_space<semaphore_mem>>
      %dma_start3A_7 = arith.constant 0 : i32
      %dma_start3A_8 = tpu.memref_slice %arg4[%mul3A_2, %dma_start3A_7] : memref<20480x64xf32, #tpu.memory_space<hbm>> -> memref<640x64xf32, #tpu.memory_space<hbm>>
      %dma_start3A_9 = arith.constant 0 : i32
      %dma_start3A_10 = tpu.memref_slice %arg4[%mul3A_2, %dma_start3A_9] : memref<20480x64xf32, #tpu.memory_space<hbm>> -> memref<640x64xf32, #tpu.memory_space<hbm>>
      tpu.enqueue_dma source(%arg6 : memref<640x64xf32, #tpu.memory_space<vmem>>) target(%dma_start3A_10 : memref<640x64xf32, #tpu.memory_space<hbm>>) target_semaphore(%run_scoped3A : memref<!tpu.dma_semaphore, #tpu.memory_space<semaphore_mem>>)
      %dma_wait3A_11 = arith.constant 0 : i32
      %dma_wait3A_12 = tpu.memref_slice %arg4[%mul3A_2, %dma_wait3A_11] : memref<20480x64xf32, #tpu.memory_space<hbm>> -> memref<640x64xf32, #tpu.memory_space<hbm>>
      %dma_wait3A_13 = arith.constant 0 : i32
      %dma_wait3A_14 = tpu.memref_slice %arg4[%mul3A_2, %dma_wait3A_13] : memref<20480x64xf32, #tpu.memory_space<hbm>> -> memref<640x64xf32, #tpu.memory_space<hbm>>
      tpu.wait_dma2 semaphore(%run_scoped3A : memref<!tpu.dma_semaphore, #tpu.memory_space<semaphore_mem>>) src(%arg6 : memref<640x64xf32, #tpu.memory_space<vmem>>) dst(%dma_wait3A_14 : memref<640x64xf32, #tpu.memory_space<hbm>>)
      tpu.yield
    }) : () -> ()
    return
  }
}

module attributes {stable_mosaic.version = 14 : i64} {
  func.func @_h_body(%arg0: memref<1024x1280xf32, #tpu.memory_space<vmem>>, %arg1: memref<256x1280xf32, #tpu.memory_space<vmem>>, %arg2: memref<1x256xf32, #tpu.memory_space<vmem>>, %arg3: memref<1024x256xbf16, #tpu.memory_space<vmem>>) attributes {dimension_semantics = [], scalar_prefetch = 0 : i64, scratch_operands = 0 : i64, tpu.core_type = #tpu.core_type<tc>} {
    %get3A = arith.constant 0 : index
    %get3A_0 = arith.constant 0 : index
    %get3A_1 = vector.load %arg0[%get3A, %get3A_0] : memref<1024x1280xf32, #tpu.memory_space<vmem>>, vector<1024x1280xf32>
    %get3A_2 = arith.constant 0 : index
    %get3A_3 = arith.constant 0 : index
    %get3A_4 = vector.load %arg1[%get3A_2, %get3A_3] : memref<256x1280xf32, #tpu.memory_space<vmem>>, vector<256x1280xf32>
    %dot_general3A = arith.constant dense<0.000000e+00> : vector<1024x256xf32>
    %dot_general3A_5 = tpu.matmul %get3A_1, %get3A_4, %dot_general3A {dimension_numbers = #tpu.dot_dimension_numbers<[1], [1], [0], [0], [0, 0, 1, 0], [], []>, transpose_lhs_hint = false} : vector<1024x1280xf32>, vector<256x1280xf32>, vector<1024x256xf32> -> vector<1024x256xf32>
    %get3A_6 = arith.constant 0 : index
    %get3A_7 = arith.constant 0 : index
    %get3A_8 = vector.load %arg2[%get3A_6, %get3A_7] : memref<1x256xf32, #tpu.memory_space<vmem>>, vector<1x256xf32>
    %add3A = vector.broadcast %get3A_8 : vector<1x256xf32> to vector<1024x256xf32>
    %add3A_9 = arith.addf %dot_general3A_5, %add3A : vector<1024x256xf32>
    %max3A = arith.constant 0.000000e+00 : f32
    %max3A_10 = vector.broadcast %max3A : f32 to vector<1024x256xf32>
    %max3A_11 = arith.maximumf %add3A_9, %max3A_10 : vector<1024x256xf32>
    %convert_element_type3A = arith.truncf %max3A_11 : vector<1024x256xf32> to vector<1024x256xbf16>
    %swap3A = arith.constant 0 : index
    %swap3A_12 = arith.constant 0 : index
    %swap3A_13 = vector.load %arg3[%swap3A, %swap3A_12] : memref<1024x256xbf16, #tpu.memory_space<vmem>>, vector<1024x256xbf16>
    tpu.vector_store %arg3[%swap3A, %swap3A_12], %convert_element_type3A {strides = array<i32>} : memref<1024x256xbf16, #tpu.memory_space<vmem>>, vector<1024x256xbf16>,
    return
  }
}

module attributes {stable_mosaic.version = 14 : i64} {
  func.func @_pass1_body(%arg0: i32, %arg1: memref<1024x256xbf16, #tpu.memory_space<vmem>>, %arg2: memref<2048x256xf32, #tpu.memory_space<vmem>>, %arg3: memref<1x2048xf32, #tpu.memory_space<vmem>>, %arg4: memref<1024x1xf32, #tpu.memory_space<vmem>>, %arg5: memref<1024x128xf32, #tpu.memory_space<vmem>>) attributes {dimension_semantics = [#tpu.dimension_semantics<arbitrary>], iteration_bounds = array<i64: 49>, scalar_prefetch = 0 : i64, scratch_operands = 1 : i64, tpu.core_type = #tpu.core_type<tc>, window_params = [{pipeline_mode = #tpu.pipeline_mode<synchronous>, transform_indices = @transform_0, window_bounds = array<i64: 1024, 256>}, {transform_indices = @transform_1, window_bounds = array<i64: 2048, 256>}, {transform_indices = @transform_2, window_bounds = array<i64: 1, 2048>}, {pipeline_mode = #tpu.pipeline_mode<synchronous>, transform_indices = @transform_3, window_bounds = array<i64: 1024, 1>}]} {
    %eq3A = arith.constant 0 : i32
    %eq3A_0 = arith.cmpi eq, %arg0, %eq3A : i32
    %convert_element_type3A = arith.extui %eq3A_0 : i1 to i32
    %cond3A = arith.constant 0 : i32
    %cond3A_1 = arith.cmpi ne, %convert_element_type3A, %cond3A : i32
    scf.if %cond3A_1 {
      %broadcast_in_dim3A_84 = arith.constant 0.000000e+00 : f32
      %broadcast_in_dim3A_85 = vector.broadcast %broadcast_in_dim3A_84 : f32 to vector<1024x128xf32>
      %swap3A_86 = arith.constant 0 : index
      %swap3A_87 = arith.constant 0 : index
      %swap3A_88 = vector.load %arg5[%swap3A_86, %swap3A_87] : memref<1024x128xf32, #tpu.memory_space<vmem>>, vector<1024x128xf32>
      tpu.vector_store %arg5[%swap3A_86, %swap3A_87], %broadcast_in_dim3A_85 {strides = array<i32>} : memref<1024x128xf32, #tpu.memory_space<vmem>>, vector<1024x128xf32>,
    } else {
    }
    %iota3A = tpu.iota {dimensions = array<i32: 0>} : vector<2048x1xi32>
    %mul3A = arith.constant 2048 : i32
    %mul3A_2 = arith.muli %arg0, %mul3A : i32
    %add3A = vector.broadcast %mul3A_2 : i32 to vector<2048x1xi32>
    %add3A_3 = arith.addi %add3A, %iota3A : vector<2048x1xi32>
    %lt3A = arith.constant 100000 : i32
    %lt3A_4 = vector.broadcast %lt3A : i32 to vector<2048x1xi32>
    %lt3A_5 = arith.cmpi slt, %add3A_3, %lt3A_4 : vector<2048x1xi32>
    %get3A = arith.constant 0 : index
    %get3A_6 = arith.constant 0 : index
    %get3A_7 = vector.load %arg2[%get3A, %get3A_6] : memref<2048x256xf32, #tpu.memory_space<vmem>>, vector<2048x256xf32>
    %jit3A = arith.constant 0.000000e+00 : f32
    %broadcast_in_dim3A = vector.shape_cast %lt3A_5 : vector<2048x1xi1> to vector<2048x1xi1>
    %broadcast_in_dim3A_8 = vector.broadcast %broadcast_in_dim3A : vector<2048x1xi1> to vector<2048x256xi1>
    %broadcast_in_dim3A_9 = vector.broadcast %jit3A : f32 to vector<2048x256xf32>
    %select_n3A = arith.select %broadcast_in_dim3A_8, %get3A_7, %broadcast_in_dim3A_9 : vector<2048x256xi1>, vector<2048x256xf32>
    %convert_element_type3A_10 = arith.truncf %select_n3A : vector<2048x256xf32> to vector<2048x256xbf16>
    %mul3A_11 = arith.constant 2048 : i32
    %mul3A_12 = arith.muli %arg0, %mul3A_11 : i32
    %iota3A_13 = tpu.iota {dimensions = array<i32: 1>} : vector<1x2048xi32>
    %add3A_14 = vector.broadcast %mul3A_12 : i32 to vector<1x2048xi32>
    %add3A_15 = arith.addi %add3A_14, %iota3A_13 : vector<1x2048xi32>
    %lt3A_16 = arith.constant 100000 : i32
    %lt3A_17 = vector.broadcast %lt3A_16 : i32 to vector<1x2048xi32>
    %lt3A_18 = arith.cmpi slt, %add3A_15, %lt3A_17 : vector<1x2048xi32>
    %get3A_19 = arith.constant 0 : index
    %get3A_20 = arith.constant 0 : index
    %get3A_21 = vector.load %arg3[%get3A_19, %get3A_20] : memref<1x2048xf32, #tpu.memory_space<vmem>>, vector<1x2048xf32>
    %jit3A_22 = arith.constant 0xFF800000 : f32
    %broadcast_in_dim3A_23 = vector.broadcast %jit3A_22 : f32 to vector<1x2048xf32>
    %select_n3A_24 = arith.select %lt3A_18, %get3A_21, %broadcast_in_dim3A_23 : vector<1x2048xi1>, vector<1x2048xf32>
    %get3A_25 = arith.constant 0 : index
    %get3A_26 = arith.constant 0 : index
    %get3A_27 = vector.load %arg1[%get3A_25, %get3A_26] : memref<1024x256xbf16, #tpu.memory_space<vmem>>, vector<1024x256xbf16>
    %dot_general3A = arith.constant dense<0.000000e+00> : vector<1024x2048xf32>
    %dot_general3A_28 = tpu.matmul %get3A_27, %convert_element_type3A_10, %dot_general3A {dimension_numbers = #tpu.dot_dimension_numbers<[1], [1], [0], [0], [0, 0, 1, 0], [], []>, transpose_lhs_hint = false} : vector<1024x256xbf16>, vector<2048x256xbf16>, vector<1024x2048xf32> -> vector<1024x2048xf32>
    %mul3A_29 = arith.constant 0x4B38AA3B : f32
    %mul3A_30 = vector.broadcast %mul3A_29 : f32 to vector<1x2048xf32>
    %mul3A_31 = arith.mulf %select_n3A_24, %mul3A_30 : vector<1x2048xf32>
    %add3A_32 = arith.constant 1.06486682E+9 : f32
    %add3A_33 = vector.broadcast %add3A_32 : f32 to vector<1x2048xf32>
    %add3A_34 = arith.addf %mul3A_31, %add3A_33 : vector<1x2048xf32>
    %mul3A_35 = arith.constant 0x4B38AA3B : f32
    %mul3A_36 = vector.broadcast %mul3A_35 : f32 to vector<1024x2048xf32>
    %mul3A_37 = arith.mulf %dot_general3A_28, %mul3A_36 : vector<1024x2048xf32>
    %add3A_38 = vector.broadcast %add3A_34 : vector<1x2048xf32> to vector<1024x2048xf32>
    %add3A_39 = arith.addf %mul3A_37, %add3A_38 : vector<1024x2048xf32>
    %max3A = arith.constant 0.000000e+00 : f32
    %max3A_40 = vector.broadcast %max3A : f32 to vector<1024x2048xf32>
    %max3A_41 = arith.maximumf %add3A_39, %max3A_40 : vector<1024x2048xf32>
    %convert_element_type3A_42 = arith.fptosi %max3A_41 : vector<1024x2048xf32> to vector<1024x2048xi32>
    %bitcast_convert_type3A = tpu.bitcast %convert_element_type3A_42 : vector<1024x2048xi32> -> vector<1024x2048xf32>
    %slice3A = vector.extract_strided_slice %bitcast_convert_type3A {offsets = [0, 0], sizes = [1024, 128], strides = [1, 1]} : vector<1024x2048xf32> to vector<1024x128xf32>
    %slice3A_43 = vector.extract_strided_slice %bitcast_convert_type3A {offsets = [0, 128], sizes = [1024, 128], strides = [1, 1]} : vector<1024x2048xf32> to vector<1024x128xf32>
    %add3A_44 = arith.addf %slice3A, %slice3A_43 : vector<1024x128xf32>
    %slice3A_45 = vector.extract_strided_slice %bitcast_convert_type3A {offsets = [0, 256], sizes = [1024, 128], strides = [1, 1]} : vector<1024x2048xf32> to vector<1024x128xf32>
    %add3A_46 = arith.addf %add3A_44, %slice3A_45 : vector<1024x128xf32>
    %slice3A_47 = vector.extract_strided_slice %bitcast_convert_type3A {offsets = [0, 384], sizes = [1024, 128], strides = [1, 1]} : vector<1024x2048xf32> to vector<1024x128xf32>
    %add3A_48 = arith.addf %add3A_46, %slice3A_47 : vector<1024x128xf32>
    %slice3A_49 = vector.extract_strided_slice %bitcast_convert_type3A {offsets = [0, 512], sizes = [1024, 128], strides = [1, 1]} : vector<1024x2048xf32> to vector<1024x128xf32>
    %add3A_50 = arith.addf %add3A_48, %slice3A_49 : vector<1024x128xf32>
    %slice3A_51 = vector.extract_strided_slice %bitcast_convert_type3A {offsets = [0, 640], sizes = [1024, 128], strides = [1, 1]} : vector<1024x2048xf32> to vector<1024x128xf32>
    %add3A_52 = arith.addf %add3A_50, %slice3A_51 : vector<1024x128xf32>
    %slice3A_53 = vector.extract_strided_slice %bitcast_convert_type3A {offsets = [0, 768], sizes = [1024, 128], strides = [1, 1]} : vector<1024x2048xf32> to vector<1024x128xf32>
    %add3A_54 = arith.addf %add3A_52, %slice3A_53 : vector<1024x128xf32>
    %slice3A_55 = vector.extract_strided_slice %bitcast_convert_type3A {offsets = [0, 896], sizes = [1024, 128], strides = [1, 1]} : vector<1024x2048xf32> to vector<1024x128xf32>
    %add3A_56 = arith.addf %add3A_54, %slice3A_55 : vector<1024x128xf32>
    %slice3A_57 = vector.extract_strided_slice %bitcast_convert_type3A {offsets = [0, 1024], sizes = [1024, 128], strides = [1, 1]} : vector<1024x2048xf32> to vector<1024x128xf32>
    %add3A_58 = arith.addf %add3A_56, %slice3A_57 : vector<1024x128xf32>
    %slice3A_59 = vector.extract_strided_slice %bitcast_convert_type3A {offsets = [0, 1152], sizes = [1024, 128], strides = [1, 1]} : vector<1024x2048xf32> to vector<1024x128xf32>
    %add3A_60 = arith.addf %add3A_58, %slice3A_59 : vector<1024x128xf32>
    %slice3A_61 = vector.extract_strided_slice %bitcast_convert_type3A {offsets = [0, 1280], sizes = [1024, 128], strides = [1, 1]} : vector<1024x2048xf32> to vector<1024x128xf32>
    %add3A_62 = arith.addf %add3A_60, %slice3A_61 : vector<1024x128xf32>
    %slice3A_63 = vector.extract_strided_slice %bitcast_convert_type3A {offsets = [0, 1408], sizes = [1024, 128], strides = [1, 1]} : vector<1024x2048xf32> to vector<1024x128xf32>
    %add3A_64 = arith.addf %add3A_62, %slice3A_63 : vector<1024x128xf32>
    %slice3A_65 = vector.extract_strided_slice %bitcast_convert_type3A {offsets = [0, 1536], sizes = [1024, 128], strides = [1, 1]} : vector<1024x2048xf32> to vector<1024x128xf32>
    %add3A_66 = arith.addf %add3A_64, %slice3A_65 : vector<1024x128xf32>
    %slice3A_67 = vector.extract_strided_slice %bitcast_convert_type3A {offsets = [0, 1664], sizes = [1024, 128], strides = [1, 1]} : vector<1024x2048xf32> to vector<1024x128xf32>
    %add3A_68 = arith.addf %add3A_66, %slice3A_67 : vector<1024x128xf32>
    %slice3A_69 = vector.extract_strided_slice %bitcast_convert_type3A {offsets = [0, 1792], sizes = [1024, 128], strides = [1, 1]} : vector<1024x2048xf32> to vector<1024x128xf32>
    %add3A_70 = arith.addf %add3A_68, %slice3A_69 : vector<1024x128xf32>
    %slice3A_71 = vector.extract_strided_slice %bitcast_convert_type3A {offsets = [0, 1920], sizes = [1024, 128], strides = [1, 1]} : vector<1024x2048xf32> to vector<1024x128xf32>
    %add3A_72 = arith.addf %add3A_70, %slice3A_71 : vector<1024x128xf32>
    %get3A_73 = arith.constant 0 : index
    %get3A_74 = arith.constant 0 : index
    %get3A_75 = vector.load %arg5[%get3A_73, %get3A_74] : memref<1024x128xf32, #tpu.memory_space<vmem>>, vector<1024x128xf32>
    %add3A_76 = arith.addf %get3A_75, %add3A_72 : vector<1024x128xf32>
    %swap3A = arith.constant 0 : index
    %swap3A_77 = arith.constant 0 : index
    %swap3A_78 = vector.load %arg5[%swap3A, %swap3A_77] : memref<1024x128xf32, #tpu.memory_space<vmem>>, vector<1024x128xf32>
    tpu.vector_store %arg5[%swap3A, %swap3A_77], %add3A_76 {strides = array<i32>} : memref<1024x128xf32, #tpu.memory_space<vmem>>, vector<1024x128xf32>,
    %eq3A_79 = arith.constant 48 : i32
    %eq3A_80 = arith.cmpi eq, %arg0, %eq3A_79 : i32
    %convert_element_type3A_81 = arith.extui %eq3A_80 : i1 to i32
    %cond3A_82 = arith.constant 0 : i32
    %cond3A_83 = arith.cmpi ne, %convert_element_type3A_81, %cond3A_82 : i32
    scf.if %cond3A_83 {
      %get3A_84 = arith.constant 0 : index
      %get3A_85 = arith.constant 0 : index
      %get3A_86 = vector.load %arg5[%get3A_84, %get3A_85] : memref<1024x128xf32, #tpu.memory_space<vmem>>, vector<1024x128xf32>
      %reduce_sum3A = arith.constant dense<0.000000e+00> : vector<1024xf32>
      %reduce_sum3A_87 = vector.multi_reduction <add>, %get3A_86, %reduce_sum3A [1] : vector<1024x128xf32> to vector<1024xf32>
      %broadcast_in_dim3A_88 = vector.shape_cast %reduce_sum3A_87 : vector<1024xf32> to vector<1024x1xf32>
      %log3A = math.log %broadcast_in_dim3A_88 : vector<1024x1xf32>
      %swap3A_89 = arith.constant 0 : index
      %swap3A_90 = arith.constant 0 : index
      %swap3A_91 = vector.load %arg4[%swap3A_89, %swap3A_90] : memref<1024x1xf32, #tpu.memory_space<vmem>>, vector<1024x1xf32>
      tpu.vector_store %arg4[%swap3A_89, %swap3A_90], %log3A {strides = array<i32>} : memref<1024x1xf32, #tpu.memory_space<vmem>>, vector<1024x1xf32>,
    } else {
    }
    return
  }
  func.func @transform_0(%arg0: i32) -> (i32, i32) {
    %c0_i32 = arith.constant 0 : i32
    %c0_i32_0 = arith.constant 0 : i32
    %c0_i32_1 = arith.constant 0 : i32
    return %c0_i32, %c0_i32_0 : i32, i32
  }
  func.func @transform_1(%arg0: i32) -> (i32, i32) {
    %c0_i32 = arith.constant 0 : i32
    %c0_i32_0 = arith.constant 0 : i32
    return %arg0, %c0_i32 : i32, i32
  }
  func.func @transform_2(%arg0: i32) -> (i32, i32) {
    %c0_i32 = arith.constant 0 : i32
    %c0_i32_0 = arith.constant 0 : i32
    return %c0_i32, %arg0 : i32, i32
  }
  func.func @transform_3(%arg0: i32) -> (i32, i32) {
    %c0_i32 = arith.constant 0 : i32
    %c0_i32_0 = arith.constant 0 : i32
    %c0_i32_1 = arith.constant 0 : i32
    return %c0_i32, %c0_i32_0 : i32, i32
  }
}

module attributes {stable_mosaic.version = 14 : i64} {
  func.func @_pass2_body(%arg0: i32, %arg1: memref<1024x256xbf16, #tpu.memory_space<vmem>>, %arg2: memref<2048x256xf32, #tpu.memory_space<vmem>>, %arg3: memref<1x2048xf32, #tpu.memory_space<vmem>>, %arg4: memref<1024x1xf32, #tpu.memory_space<vmem>>, %arg5: memref<1024x100000xf32, #tpu.memory_space<any>>, %arg6: memref<3x1024x2048xf32, #tpu.memory_space<vmem>>, %arg7: memref<3x2x!tpu.dma_semaphore, #tpu.memory_space<semaphore_mem>>) attributes {dimension_semantics = [#tpu.dimension_semantics<arbitrary>], iteration_bounds = array<i64: 48>, scalar_prefetch = 0 : i64, scratch_operands = 2 : i64, tpu.core_type = #tpu.core_type<tc>, window_params = [{pipeline_mode = #tpu.pipeline_mode<synchronous>, transform_indices = @transform_0, window_bounds = array<i64: 1024, 256>}, {transform_indices = @transform_1, window_bounds = array<i64: 2048, 256>}, {transform_indices = @transform_2, window_bounds = array<i64: 1, 2048>}, {pipeline_mode = #tpu.pipeline_mode<synchronous>, transform_indices = @transform_3, window_bounds = array<i64: 1024, 1>}, {}]} {
    %rem3A = arith.constant 3 : i32
    %rem3A_0 = arith.remsi %arg0, %rem3A : i32
    %ge3A = arith.constant 3 : i32
    %ge3A_1 = arith.cmpi sge, %arg0, %ge3A : i32
    %convert_element_type3A = arith.extui %ge3A_1 : i1 to i32
    %cond3A = arith.constant 0 : i32
    %cond3A_2 = arith.cmpi ne, %convert_element_type3A, %cond3A : i32
    scf.if %cond3A_2 {
      %dma_wait3A = arith.constant 0 : i32
      %dma_wait3A_47 = tpu.memref_slice %arg7[%rem3A_0, %dma_wait3A] : memref<3x2x!tpu.dma_semaphore, #tpu.memory_space<semaphore_mem>> -> memref<1x1x!tpu.dma_semaphore, #tpu.memory_space<semaphore_mem>>
      %dma_wait3A_48 = tpu.memref_squeeze %dma_wait3A_47 : memref<1x1x!tpu.dma_semaphore, #tpu.memory_space<semaphore_mem>> -> memref<!tpu.dma_semaphore, #tpu.memory_space<semaphore_mem>>
      %dma_wait3A_49 = arith.constant 0 : i32
      %dma_wait3A_50 = arith.constant 0 : i32
      %dma_wait3A_51 = tpu.memref_slice %arg5[%dma_wait3A_49, %dma_wait3A_50] : memref<1024x100000xf32, #tpu.memory_space<any>> -> memref<512x2048xf32, #tpu.memory_space<any>>
      %dma_wait3A_52 = arith.constant 0 : i32
      %dma_wait3A_53 = arith.constant 0 : i32
      %dma_wait3A_54 = tpu.memref_slice %arg6[%rem3A_0, %dma_wait3A_52, %dma_wait3A_53] : memref<3x1024x2048xf32, #tpu.memory_space<vmem>> -> memref<1x512x2048xf32, #tpu.memory_space<vmem>>
      %dma_wait3A_55 = tpu.memref_squeeze %dma_wait3A_54 : memref<1x512x2048xf32, #tpu.memory_space<vmem>> -> memref<512x2048xf32, #tpu.memory_space<vmem>>
      tpu.wait_dma2 semaphore(%dma_wait3A_48 : memref<!tpu.dma_semaphore, #tpu.memory_space<semaphore_mem>>) src(%dma_wait3A_55 : memref<512x2048xf32, #tpu.memory_space<vmem>>) dst(%dma_wait3A_51 : memref<512x2048xf32, #tpu.memory_space<any>>)
      %dma_wait3A_56 = arith.constant 1 : i32
      %dma_wait3A_57 = tpu.memref_slice %arg7[%rem3A_0, %dma_wait3A_56] : memref<3x2x!tpu.dma_semaphore, #tpu.memory_space<semaphore_mem>> -> memref<1x1x!tpu.dma_semaphore, #tpu.memory_space<semaphore_mem>>
      %dma_wait3A_58 = tpu.memref_squeeze %dma_wait3A_57 : memref<1x1x!tpu.dma_semaphore, #tpu.memory_space<semaphore_mem>> -> memref<!tpu.dma_semaphore, #tpu.memory_space<semaphore_mem>>
      %dma_wait3A_59 = arith.constant 512 : i32
      %dma_wait3A_60 = arith.constant 0 : i32
      %dma_wait3A_61 = tpu.memref_slice %arg5[%dma_wait3A_59, %dma_wait3A_60] : memref<1024x100000xf32, #tpu.memory_space<any>> -> memref<512x2048xf32, #tpu.memory_space<any>>
      %dma_wait3A_62 = arith.constant 512 : i32
      %dma_wait3A_63 = arith.constant 0 : i32
      %dma_wait3A_64 = tpu.memref_slice %arg6[%rem3A_0, %dma_wait3A_62, %dma_wait3A_63] : memref<3x1024x2048xf32, #tpu.memory_space<vmem>> -> memref<1x512x2048xf32, #tpu.memory_space<vmem>>
      %dma_wait3A_65 = tpu.memref_squeeze %dma_wait3A_64 : memref<1x512x2048xf32, #tpu.memory_space<vmem>> -> memref<512x2048xf32, #tpu.memory_space<vmem>>
      tpu.wait_dma2 semaphore(%dma_wait3A_58 : memref<!tpu.dma_semaphore, #tpu.memory_space<semaphore_mem>>) src(%dma_wait3A_65 : memref<512x2048xf32, #tpu.memory_space<vmem>>) dst(%dma_wait3A_61 : memref<512x2048xf32, #tpu.memory_space<any>>)
    } else {
    }
    %get3A = arith.constant 0 : index
    %get3A_3 = arith.constant 0 : index
    %get3A_4 = vector.load %arg1[%get3A, %get3A_3] : memref<1024x256xbf16, #tpu.memory_space<vmem>>, vector<1024x256xbf16>
    %get3A_5 = arith.constant 0 : index
    %get3A_6 = arith.constant 0 : index
    %get3A_7 = vector.load %arg2[%get3A_5, %get3A_6] : memref<2048x256xf32, #tpu.memory_space<vmem>>, vector<2048x256xf32>
    %convert_element_type3A_8 = arith.truncf %get3A_7 : vector<2048x256xf32> to vector<2048x256xbf16>
    %dot_general3A = arith.constant dense<0.000000e+00> : vector<1024x2048xf32>
    %dot_general3A_9 = tpu.matmul %get3A_4, %convert_element_type3A_8, %dot_general3A {dimension_numbers = #tpu.dot_dimension_numbers<[1], [1], [0], [0], [0, 0, 1, 0], [], []>, transpose_lhs_hint = false} : vector<1024x256xbf16>, vector<2048x256xbf16>, vector<1024x2048xf32> -> vector<1024x2048xf32>
    %get3A_10 = arith.constant 0 : index
    %get3A_11 = arith.constant 0 : index
    %get3A_12 = vector.load %arg3[%get3A_10, %get3A_11] : memref<1x2048xf32, #tpu.memory_space<vmem>>, vector<1x2048xf32>
    %add3A = vector.broadcast %get3A_12 : vector<1x2048xf32> to vector<1024x2048xf32>
    %add3A_13 = arith.addf %dot_general3A_9, %add3A : vector<1024x2048xf32>
    %get3A_14 = arith.constant 0 : index
    %get3A_15 = arith.constant 0 : index
    %get3A_16 = vector.load %arg4[%get3A_14, %get3A_15] : memref<1024x1xf32, #tpu.memory_space<vmem>>, vector<1024x1xf32>
    %sub3A = vector.broadcast %get3A_16 : vector<1024x1xf32> to vector<1024x2048xf32>
    %sub3A_17 = arith.subf %add3A_13, %sub3A : vector<1024x2048xf32>
    %swap3A = arith.index_cast %rem3A_0 : i32 to index
    %swap3A_18 = arith.constant 0 : index
    %swap3A_19 = arith.constant 0 : index
    %swap3A_20 = vector.load %arg6[%swap3A, %swap3A_18, %swap3A_19] : memref<3x1024x2048xf32, #tpu.memory_space<vmem>>, vector<1x1024x2048xf32>
    %swap3A_21 = vector.shape_cast %swap3A_20 : vector<1x1024x2048xf32> to vector<1024x2048xf32>
    %swap3A_22 = vector.shape_cast %sub3A_17 : vector<1024x2048xf32> to vector<1x1024x2048xf32>
    tpu.vector_store %arg6[%swap3A, %swap3A_18, %swap3A_19], %swap3A_22 {strides = array<i32>} : memref<3x1024x2048xf32, #tpu.memory_space<vmem>>, vector<1x1024x2048xf32>,
    %mul3A = arith.constant 2048 : i32
    %mul3A_23 = arith.muli %arg0, %mul3A : i32
    %dma_start3A = arith.constant 0 : i32
    %dma_start3A_24 = tpu.memref_slice %arg7[%rem3A_0, %dma_start3A] : memref<3x2x!tpu.dma_semaphore, #tpu.memory_space<semaphore_mem>> -> memref<1x1x!tpu.dma_semaphore, #tpu.memory_space<semaphore_mem>>
    %dma_start3A_25 = tpu.memref_squeeze %dma_start3A_24 : memref<1x1x!tpu.dma_semaphore, #tpu.memory_space<semaphore_mem>> -> memref<!tpu.dma_semaphore, #tpu.memory_space<semaphore_mem>>
    %dma_start3A_26 = arith.constant 0 : i32
    %dma_start3A_27 = tpu.memref_slice %arg5[%dma_start3A_26, %mul3A_23] : memref<1024x100000xf32, #tpu.memory_space<any>> -> memref<512x2048xf32, #tpu.memory_space<any>>
    %dma_start3A_28 = arith.constant 0 : i32
    %dma_start3A_29 = arith.constant 0 : i32
    %dma_start3A_30 = tpu.memref_slice %arg6[%rem3A_0, %dma_start3A_28, %dma_start3A_29] : memref<3x1024x2048xf32, #tpu.memory_space<vmem>> -> memref<1x512x2048xf32, #tpu.memory_space<vmem>>
    %dma_start3A_31 = tpu.memref_squeeze %dma_start3A_30 : memref<1x512x2048xf32, #tpu.memory_space<vmem>> -> memref<512x2048xf32, #tpu.memory_space<vmem>>
    tpu.enqueue_dma source(%dma_start3A_31 : memref<512x2048xf32, #tpu.memory_space<vmem>>) target(%dma_start3A_27 : memref<512x2048xf32, #tpu.memory_space<any>>) target_semaphore(%dma_start3A_25 : memref<!tpu.dma_semaphore, #tpu.memory_space<semaphore_mem>>)
    %mul3A_32 = arith.constant 2048 : i32
    %mul3A_33 = arith.muli %arg0, %mul3A_32 : i32
    %dma_start3A_34 = arith.constant 1 : i32
    %dma_start3A_35 = tpu.memref_slice %arg7[%rem3A_0, %dma_start3A_34] : memref<3x2x!tpu.dma_semaphore, #tpu.memory_space<semaphore_mem>> -> memref<1x1x!tpu.dma_semaphore, #tpu.memory_space<semaphore_mem>>
    %dma_start3A_36 = tpu.memref_squeeze %dma_start3A_35 : memref<1x1x!tpu.dma_semaphore, #tpu.memory_space<semaphore_mem>> -> memref<!tpu.dma_semaphore, #tpu.memory_space<semaphore_mem>>
    %dma_start3A_37 = arith.constant 512 : i32
    %dma_start3A_38 = tpu.memref_slice %arg5[%dma_start3A_37, %mul3A_33] : memref<1024x100000xf32, #tpu.memory_space<any>> -> memref<512x2048xf32, #tpu.memory_space<any>>
    %dma_start3A_39 = arith.constant 512 : i32
    %dma_start3A_40 = arith.constant 0 : i32
    %dma_start3A_41 = tpu.memref_slice %arg6[%rem3A_0, %dma_start3A_39, %dma_start3A_40] : memref<3x1024x2048xf32, #tpu.memory_space<vmem>> -> memref<1x512x2048xf32, #tpu.memory_space<vmem>>
    %dma_start3A_42 = tpu.memref_squeeze %dma_start3A_41 : memref<1x512x2048xf32, #tpu.memory_space<vmem>> -> memref<512x2048xf32, #tpu.memory_space<vmem>>
    tpu.enqueue_dma source(%dma_start3A_42 : memref<512x2048xf32, #tpu.memory_space<vmem>>) target(%dma_start3A_38 : memref<512x2048xf32, #tpu.memory_space<any>>) target_semaphore(%dma_start3A_36 : memref<!tpu.dma_semaphore, #tpu.memory_space<semaphore_mem>>)
    %eq3A = arith.constant 47 : i32
    %eq3A_43 = arith.cmpi eq, %arg0, %eq3A : i32
    %convert_element_type3A_44 = arith.extui %eq3A_43 : i1 to i32
    %cond3A_45 = arith.constant 0 : i32
    %cond3A_46 = arith.cmpi ne, %convert_element_type3A_44, %cond3A_45 : i32
    scf.if %cond3A_46 {
      %dma_wait3A = arith.constant 2 : i32
      %dma_wait3A_47 = arith.constant 2 : i32
      %dma_wait3A_48 = arith.constant 0 : i32
      %dma_wait3A_49 = tpu.memref_slice %arg7[%dma_wait3A_47, %dma_wait3A_48] : memref<3x2x!tpu.dma_semaphore, #tpu.memory_space<semaphore_mem>> -> memref<1x1x!tpu.dma_semaphore, #tpu.memory_space<semaphore_mem>>
      %dma_wait3A_50 = tpu.memref_squeeze %dma_wait3A_49 : memref<1x1x!tpu.dma_semaphore, #tpu.memory_space<semaphore_mem>> -> memref<!tpu.dma_semaphore, #tpu.memory_space<semaphore_mem>>
      %dma_wait3A_51 = arith.constant 0 : i32
      %dma_wait3A_52 = arith.constant 0 : i32
      %dma_wait3A_53 = tpu.memref_slice %arg5[%dma_wait3A_51, %dma_wait3A_52] : memref<1024x100000xf32, #tpu.memory_space<any>> -> memref<512x2048xf32, #tpu.memory_space<any>>
      %dma_wait3A_54 = arith.constant 0 : i32
      %dma_wait3A_55 = arith.constant 0 : i32
      %dma_wait3A_56 = tpu.memref_slice %arg6[%dma_wait3A, %dma_wait3A_54, %dma_wait3A_55] : memref<3x1024x2048xf32, #tpu.memory_space<vmem>> -> memref<1x512x2048xf32, #tpu.memory_space<vmem>>
      %dma_wait3A_57 = tpu.memref_squeeze %dma_wait3A_56 : memref<1x512x2048xf32, #tpu.memory_space<vmem>> -> memref<512x2048xf32, #tpu.memory_space<vmem>>
      tpu.wait_dma2 semaphore(%dma_wait3A_50 : memref<!tpu.dma_semaphore, #tpu.memory_space<semaphore_mem>>) src(%dma_wait3A_57 : memref<512x2048xf32, #tpu.memory_space<vmem>>) dst(%dma_wait3A_53 : memref<512x2048xf32, #tpu.memory_space<any>>)
      %dma_wait3A_58 = arith.constant 2 : i32
      %dma_wait3A_59 = arith.constant 2 : i32
      %dma_wait3A_60 = arith.constant 1 : i32
      %dma_wait3A_61 = tpu.memref_slice %arg7[%dma_wait3A_59, %dma_wait3A_60] : memref<3x2x!tpu.dma_semaphore, #tpu.memory_space<semaphore_mem>> -> memref<1x1x!tpu.dma_semaphore, #tpu.memory_space<semaphore_mem>>
      %dma_wait3A_62 = tpu.memref_squeeze %dma_wait3A_61 : memref<1x1x!tpu.dma_semaphore, #tpu.memory_space<semaphore_mem>> -> memref<!tpu.dma_semaphore, #tpu.memory_space<semaphore_mem>>
      %dma_wait3A_63 = arith.constant 512 : i32
      %dma_wait3A_64 = arith.constant 0 : i32
      %dma_wait3A_65 = tpu.memref_slice %arg5[%dma_wait3A_63, %dma_wait3A_64] : memref<1024x100000xf32, #tpu.memory_space<any>> -> memref<512x2048xf32, #tpu.memory_space<any>>
      %dma_wait3A_66 = arith.constant 512 : i32
      %dma_wait3A_67 = arith.constant 0 : i32
      %dma_wait3A_68 = tpu.memref_slice %arg6[%dma_wait3A_58, %dma_wait3A_66, %dma_wait3A_67] : memref<3x1024x2048xf32, #tpu.memory_space<vmem>> -> memref<1x512x2048xf32, #tpu.memory_space<vmem>>
      %dma_wait3A_69 = tpu.memref_squeeze %dma_wait3A_68 : memref<1x512x2048xf32, #tpu.memory_space<vmem>> -> memref<512x2048xf32, #tpu.memory_space<vmem>>
      tpu.wait_dma2 semaphore(%dma_wait3A_62 : memref<!tpu.dma_semaphore, #tpu.memory_space<semaphore_mem>>) src(%dma_wait3A_69 : memref<512x2048xf32, #tpu.memory_space<vmem>>) dst(%dma_wait3A_65 : memref<512x2048xf32, #tpu.memory_space<any>>)
      %dma_wait3A_70 = arith.constant 1 : i32
      %dma_wait3A_71 = arith.constant 1 : i32
      %dma_wait3A_72 = arith.constant 0 : i32
      %dma_wait3A_73 = tpu.memref_slice %arg7[%dma_wait3A_71, %dma_wait3A_72] : memref<3x2x!tpu.dma_semaphore, #tpu.memory_space<semaphore_mem>> -> memref<1x1x!tpu.dma_semaphore, #tpu.memory_space<semaphore_mem>>
      %dma_wait3A_74 = tpu.memref_squeeze %dma_wait3A_73 : memref<1x1x!tpu.dma_semaphore, #tpu.memory_space<semaphore_mem>> -> memref<!tpu.dma_semaphore, #tpu.memory_space<semaphore_mem>>
      %dma_wait3A_75 = arith.constant 0 : i32
      %dma_wait3A_76 = arith.constant 0 : i32
      %dma_wait3A_77 = tpu.memref_slice %arg5[%dma_wait3A_75, %dma_wait3A_76] : memref<1024x100000xf32, #tpu.memory_space<any>> -> memref<512x2048xf32, #tpu.memory_space<any>>
      %dma_wait3A_78 = arith.constant 0 : i32
      %dma_wait3A_79 = arith.constant 0 : i32
      %dma_wait3A_80 = tpu.memref_slice %arg6[%dma_wait3A_70, %dma_wait3A_78, %dma_wait3A_79] : memref<3x1024x2048xf32, #tpu.memory_space<vmem>> -> memref<1x512x2048xf32, #tpu.memory_space<vmem>>
      %dma_wait3A_81 = tpu.memref_squeeze %dma_wait3A_80 : memref<1x512x2048xf32, #tpu.memory_space<vmem>> -> memref<512x2048xf32, #tpu.memory_space<vmem>>
      tpu.wait_dma2 semaphore(%dma_wait3A_74 : memref<!tpu.dma_semaphore, #tpu.memory_space<semaphore_mem>>) src(%dma_wait3A_81 : memref<512x2048xf32, #tpu.memory_space<vmem>>) dst(%dma_wait3A_77 : memref<512x2048xf32, #tpu.memory_space<any>>)
      %dma_wait3A_82 = arith.constant 1 : i32
      %dma_wait3A_83 = arith.constant 1 : i32
      %dma_wait3A_84 = arith.constant 1 : i32
      %dma_wait3A_85 = tpu.memref_slice %arg7[%dma_wait3A_83, %dma_wait3A_84] : memref<3x2x!tpu.dma_semaphore, #tpu.memory_space<semaphore_mem>> -> memref<1x1x!tpu.dma_semaphore, #tpu.memory_space<semaphore_mem>>
      %dma_wait3A_86 = tpu.memref_squeeze %dma_wait3A_85 : memref<1x1x!tpu.dma_semaphore, #tpu.memory_space<semaphore_mem>> -> memref<!tpu.dma_semaphore, #tpu.memory_space<semaphore_mem>>
      %dma_wait3A_87 = arith.constant 512 : i32
      %dma_wait3A_88 = arith.constant 0 : i32
      %dma_wait3A_89 = tpu.memref_slice %arg5[%dma_wait3A_87, %dma_wait3A_88] : memref<1024x100000xf32, #tpu.memory_space<any>> -> memref<512x2048xf32, #tpu.memory_space<any>>
      %dma_wait3A_90 = arith.constant 512 : i32
      %dma_wait3A_91 = arith.constant 0 : i32
      %dma_wait3A_92 = tpu.memref_slice %arg6[%dma_wait3A_82, %dma_wait3A_90, %dma_wait3A_91] : memref<3x1024x2048xf32, #tpu.memory_space<vmem>> -> memref<1x512x2048xf32, #tpu.memory_space<vmem>>
      %dma_wait3A_93 = tpu.memref_squeeze %dma_wait3A_92 : memref<1x512x2048xf32, #tpu.memory_space<vmem>> -> memref<512x2048xf32, #tpu.memory_space<vmem>>
      tpu.wait_dma2 semaphore(%dma_wait3A_86 : memref<!tpu.dma_semaphore, #tpu.memory_space<semaphore_mem>>) src(%dma_wait3A_93 : memref<512x2048xf32, #tpu.memory_space<vmem>>) dst(%dma_wait3A_89 : memref<512x2048xf32, #tpu.memory_space<any>>)
      %dma_wait3A_94 = arith.constant 0 : i32
      %dma_wait3A_95 = arith.constant 0 : i32
      %dma_wait3A_96 = arith.constant 0 : i32
      %dma_wait3A_97 = tpu.memref_slice %arg7[%dma_wait3A_95, %dma_wait3A_96] : memref<3x2x!tpu.dma_semaphore, #tpu.memory_space<semaphore_mem>> -> memref<1x1x!tpu.dma_semaphore, #tpu.memory_space<semaphore_mem>>
      %dma_wait3A_98 = tpu.memref_squeeze %dma_wait3A_97 : memref<1x1x!tpu.dma_semaphore, #tpu.memory_space<semaphore_mem>> -> memref<!tpu.dma_semaphore, #tpu.memory_space<semaphore_mem>>
      %dma_wait3A_99 = arith.constant 0 : i32
      %dma_wait3A_100 = arith.constant 0 : i32
      %dma_wait3A_101 = tpu.memref_slice %arg5[%dma_wait3A_99, %dma_wait3A_100] : memref<1024x100000xf32, #tpu.memory_space<any>> -> memref<512x2048xf32, #tpu.memory_space<any>>
      %dma_wait3A_102 = arith.constant 0 : i32
      %dma_wait3A_103 = arith.constant 0 : i32
      %dma_wait3A_104 = tpu.memref_slice %arg6[%dma_wait3A_94, %dma_wait3A_102, %dma_wait3A_103] : memref<3x1024x2048xf32, #tpu.memory_space<vmem>> -> memref<1x512x2048xf32, #tpu.memory_space<vmem>>
      %dma_wait3A_105 = tpu.memref_squeeze %dma_wait3A_104 : memref<1x512x2048xf32, #tpu.memory_space<vmem>> -> memref<512x2048xf32, #tpu.memory_space<vmem>>
      tpu.wait_dma2 semaphore(%dma_wait3A_98 : memref<!tpu.dma_semaphore, #tpu.memory_space<semaphore_mem>>) src(%dma_wait3A_105 : memref<512x2048xf32, #tpu.memory_space<vmem>>) dst(%dma_wait3A_101 : memref<512x2048xf32, #tpu.memory_space<any>>)
      %dma_wait3A_106 = arith.constant 0 : i32
      %dma_wait3A_107 = arith.constant 0 : i32
      %dma_wait3A_108 = arith.constant 1 : i32
      %dma_wait3A_109 = tpu.memref_slice %arg7[%dma_wait3A_107, %dma_wait3A_108] : memref<3x2x!tpu.dma_semaphore, #tpu.memory_space<semaphore_mem>> -> memref<1x1x!tpu.dma_semaphore, #tpu.memory_space<semaphore_mem>>
      %dma_wait3A_110 = tpu.memref_squeeze %dma_wait3A_109 : memref<1x1x!tpu.dma_semaphore, #tpu.memory_space<semaphore_mem>> -> memref<!tpu.dma_semaphore, #tpu.memory_space<semaphore_mem>>
      %dma_wait3A_111 = arith.constant 512 : i32
      %dma_wait3A_112 = arith.constant 0 : i32
      %dma_wait3A_113 = tpu.memref_slice %arg5[%dma_wait3A_111, %dma_wait3A_112] : memref<1024x100000xf32, #tpu.memory_space<any>> -> memref<512x2048xf32, #tpu.memory_space<any>>
      %dma_wait3A_114 = arith.constant 512 : i32
      %dma_wait3A_115 = arith.constant 0 : i32
      %dma_wait3A_116 = tpu.memref_slice %arg6[%dma_wait3A_106, %dma_wait3A_114, %dma_wait3A_115] : memref<3x1024x2048xf32, #tpu.memory_space<vmem>> -> memref<1x512x2048xf32, #tpu.memory_space<vmem>>
      %dma_wait3A_117 = tpu.memref_squeeze %dma_wait3A_116 : memref<1x512x2048xf32, #tpu.memory_space<vmem>> -> memref<512x2048xf32, #tpu.memory_space<vmem>>
      tpu.wait_dma2 semaphore(%dma_wait3A_110 : memref<!tpu.dma_semaphore, #tpu.memory_space<semaphore_mem>>) src(%dma_wait3A_117 : memref<512x2048xf32, #tpu.memory_space<vmem>>) dst(%dma_wait3A_113 : memref<512x2048xf32, #tpu.memory_space<any>>)
    } else {
    }
    return
  }
  func.func @transform_0(%arg0: i32) -> (i32, i32) {
    %c0_i32 = arith.constant 0 : i32
    %c0_i32_0 = arith.constant 0 : i32
    %c0_i32_1 = arith.constant 0 : i32
    return %c0_i32, %c0_i32_0 : i32, i32
  }
  func.func @transform_1(%arg0: i32) -> (i32, i32) {
    %c0_i32 = arith.constant 0 : i32
    %c0_i32_0 = arith.constant 0 : i32
    return %arg0, %c0_i32 : i32, i32
  }
  func.func @transform_2(%arg0: i32) -> (i32, i32) {
    %c0_i32 = arith.constant 0 : i32
    %c0_i32_0 = arith.constant 0 : i32
    return %c0_i32, %arg0 : i32, i32
  }
  func.func @transform_3(%arg0: i32) -> (i32, i32) {
    %c0_i32 = arith.constant 0 : i32
    %c0_i32_0 = arith.constant 0 : i32
    %c0_i32_1 = arith.constant 0 : i32
    return %c0_i32, %c0_i32_0 : i32, i32
  }
}

module attributes {stable_mosaic.version = 14 : i64} {
  func.func @_tail_body(%arg0: i32, %arg1: memref<1024x100000xf32, #tpu.memory_space<any>>, %arg2: memref<1024x256xbf16, #tpu.memory_space<vmem>>, %arg3: memref<2048x256xf32, #tpu.memory_space<vmem>>, %arg4: memref<1x2048xf32, #tpu.memory_space<vmem>>, %arg5: memref<1024x1xf32, #tpu.memory_space<vmem>>, %arg6: memref<1024x2048xf32, #tpu.memory_space<vmem>>) attributes {dimension_semantics = [#tpu.dimension_semantics<arbitrary>], iteration_bounds = array<i64: 1>, scalar_prefetch = 0 : i64, scratch_operands = 0 : i64, tpu.core_type = #tpu.core_type<tc>, window_params = [{}, {pipeline_mode = #tpu.pipeline_mode<synchronous>, transform_indices = @transform_1, window_bounds = array<i64: 1024, 256>}, {transform_indices = @transform_2, window_bounds = array<i64: 2048, 256>}, {transform_indices = @transform_3, window_bounds = array<i64: 1, 2048>}, {pipeline_mode = #tpu.pipeline_mode<synchronous>, transform_indices = @transform_4, window_bounds = array<i64: 1024, 1>}, {transform_indices = @transform_5, window_bounds = array<i64: 1024, 2048>}]} {
    %get3A = arith.constant 0 : index
    %get3A_0 = arith.constant 0 : index
    %get3A_1 = vector.load %arg2[%get3A, %get3A_0] : memref<1024x256xbf16, #tpu.memory_space<vmem>>, vector<1024x256xbf16>
    %get3A_2 = arith.constant 0 : index
    %get3A_3 = arith.constant 0 : index
    %get3A_4 = vector.load %arg3[%get3A_2, %get3A_3] : memref<2048x256xf32, #tpu.memory_space<vmem>>, vector<2048x256xf32>
    %convert_element_type3A = arith.truncf %get3A_4 : vector<2048x256xf32> to vector<2048x256xbf16>
    %dot_general3A = arith.constant dense<0.000000e+00> : vector<1024x2048xf32>
    %dot_general3A_5 = tpu.matmul %get3A_1, %convert_element_type3A, %dot_general3A {dimension_numbers = #tpu.dot_dimension_numbers<[1], [1], [0], [0], [0, 0, 1, 0], [], []>, transpose_lhs_hint = false} : vector<1024x256xbf16>, vector<2048x256xbf16>, vector<1024x2048xf32> -> vector<1024x2048xf32>
    %get3A_6 = arith.constant 0 : index
    %get3A_7 = arith.constant 0 : index
    %get3A_8 = vector.load %arg4[%get3A_6, %get3A_7] : memref<1x2048xf32, #tpu.memory_space<vmem>>, vector<1x2048xf32>
    %add3A = vector.broadcast %get3A_8 : vector<1x2048xf32> to vector<1024x2048xf32>
    %add3A_9 = arith.addf %dot_general3A_5, %add3A : vector<1024x2048xf32>
    %get3A_10 = arith.constant 0 : index
    %get3A_11 = arith.constant 0 : index
    %get3A_12 = vector.load %arg5[%get3A_10, %get3A_11] : memref<1024x1xf32, #tpu.memory_space<vmem>>, vector<1024x1xf32>
    %sub3A = vector.broadcast %get3A_12 : vector<1024x1xf32> to vector<1024x2048xf32>
    %sub3A_13 = arith.subf %add3A_9, %sub3A : vector<1024x2048xf32>
    %swap3A = arith.constant 0 : index
    %swap3A_14 = arith.constant 0 : index
    %swap3A_15 = vector.load %arg6[%swap3A, %swap3A_14] : memref<1024x2048xf32, #tpu.memory_space<vmem>>, vector<1024x2048xf32>
    tpu.vector_store %arg6[%swap3A, %swap3A_14], %sub3A_13 {strides = array<i32>} : memref<1024x2048xf32, #tpu.memory_space<vmem>>, vector<1024x2048xf32>,
    return
  }
  func.func @transform_1(%arg0: i32) -> (i32, i32) {
    %c0_i32 = arith.constant 0 : i32
    %c0_i32_0 = arith.constant 0 : i32
    %c0_i32_1 = arith.constant 0 : i32
    return %c0_i32, %c0_i32_0 : i32, i32
  }
  func.func @transform_2(%arg0: i32) -> (i32, i32) {
    %c48_i32 = arith.constant 48 : i32
    %c0_i32 = arith.constant 0 : i32
    %c0_i32_0 = arith.constant 0 : i32
    return %c48_i32, %c0_i32 : i32, i32
  }
  func.func @transform_3(%arg0: i32) -> (i32, i32) {
    %c0_i32 = arith.constant 0 : i32
    %c48_i32 = arith.constant 48 : i32
    %c0_i32_0 = arith.constant 0 : i32
    return %c0_i32, %c48_i32 : i32, i32
  }
  func.func @transform_4(%arg0: i32) -> (i32, i32) {
    %c0_i32 = arith.constant 0 : i32
    %c0_i32_0 = arith.constant 0 : i32
    %c0_i32_1 = arith.constant 0 : i32
    return %c0_i32, %c0_i32_0 : i32, i32
  }
  func.func @transform_5(%arg0: i32) -> (i32, i32) {
    %c0_i32 = arith.constant 0 : i32
    %c48_i32 = arith.constant 48 : i32
    %c0_i32_0 = arith.constant 0 : i32
    return %c0_i32, %c48_i32 : i32, i32
  }
}

</mosaic_0001>

<sc_bundles>
// kernel: kernel.7.cloned.1.call-start
scs
__scs_entry_jumppad:
0x0: {  	(pc) =	sbr.rel $0x88, $3  }
0x1: {  	(tag) =	ssettag $0x0;
	lr =	simm.s32 $0x1  }
0x2: {  	[smem:$0x3F9B] =	sst lr;
	_ =	strace $0xD0000000  }
0x3: {  	_ = 	snop  }
0x4: {  	_ = 	snop  }
0x5: {  	_ = 	snop  }
0x6: {  	_ = 	snop  }
0x7: {  	_ = 	snop  }
__scs_overlays_trampoline_lowered:
0x8: {  	[smem:$0x3FAA] =	sst s0  }
0x9: {  	[smem:$0x3FAB] =	sst s1  }
0xa: {  	[smem:$0x3FAC] =	sst s2  }
0xb: {  	[smem:$0x3FAD] =	sst s3  }
0xc: {  	[smem:$0x3FAE] =	sst s4  }
0xd: {  	[smem:$0x3FAF] =	sst s5  }
0xe: {  	[smem:$0x3FB0] =	sst s6  }
0xf: {  	[smem:$0x3FB1] =	sst s7  }
0x10: {  	[smem:$0x3FB2] =	sst s8  }
0x11: {  	[smem:$0x3FB3] =	sst s9;
	s0 =	simm.s32 @!p0 $0x0  }
0x12: {  	s1 =	sld [smem:$0x3F99];
	s0 =	simm.s32 @p0 $0x1  }
0x13: {  	[smem:$0x3FB4] =	sst s0;
	s0 =	simm.s32 @!p1 $0x0  }
0x14: {  	s2 =	sld [smem:$0x3F98];
	s0 =	simm.s32 @p1 $0x1  }
0x15: {  	[smem:$0x3FB5] =	sst s0;
	s0 =	simm.s32 @!p2 $0x0  }
0x16: {  	s3 =	sld [smem:$0x3FDB];
	s0 =	simm.s32 @p2 $0x1  }
0x17: {  	s4 =	simm.s32 $0x1BF5;
	[smem:$0x3FB7] =	sst s0  }
0x18: {  	s0 =	sld [smem:$0x3F9A];
	_ =	swait.ge [sflag:s4], $0x0  }
0x19: {  	s7 =	sld [smem:$0x3F9B]  }
0x1a: {  	s8 =	sadd.s32 $0xFFFFE003, lr  }
0x1b: {  	s9 =	sadd.s32 $0xFFFFFEF7, lr;
	s5 =	simm.s32 $0xFFFFFFFF;
	p2 =	slt.u32 s8, $0xFFFFF086  }
0x1c: {  	p1 =	slt.u32 s9, $0xF7A;
	s5 =	simm.s32 @!p2 $0x0  }
0x1d: {  	s5 =	simm.s32 @p1 $0x1;
	p0 =	seq.s32 s7, s2  }
0x1e: {  	s7 =	smul.u32 @!p0 $0xF7A, s2;
	p2 =	seq.s32 @!p0 s5, $0x0  }
0x1f: {  	s9 =	smul.u32 $0xF7A, s1;
	s8 =	simm.s32 @!p0 $0x1BF5;
	p2 =	por !p2, p0  }
0x20: {  	[sflag:s8] =	ssyncset.s32 @!p0 $0xFFFFF086;
	s6 =	sadd.s32 @!p0 s3, s7;
	s7 =	simm.s32 @!p0 $0x108  }
0x21: {  	s3 =	sadd.s32 s3, s9;
	s6 =	sadd.s32 @!p0 $0x88, s6;
	s7 =	simm.s32 @p2 $0x1082  }
0x22: {  	[simem:s7], [sflag:s8] =	dma.local @!p0 [hbm:s6], $0xF7A  }
0x23: {  	s9 =	sor.u32 $0xD0000000, s2;
	s6 =	simm.s32 $0x108;
	_ =	swait.ge @!p0 [sflag:s8], $0x0  }
0x24: {  	s3 =	sadd.s32 $0x88, s3;
	s6 =	simm.s32 @!p1 $0x1082;
	[sflag:s4] =	ssyncset.s32 $0xFFFFF086  }
0x25: {  	[simem:s6], [sflag:s4] =	dma.local [hbm:s3], $0xF7A  }
0x26: {  	[smem:$0x3F9B] =	sst s1;
	(tag) =	ssettag s2;
	_ =	strace s9  }
0x27: {  	s1 =	sld [smem:$0x3FAB]  }
0x28: {  	s2 =	sld [smem:$0x3FAC]  }
0x29: {  	s4 =	sld [smem:$0x3FAE]  }
0x2a: {  	p0 =	seq.s32 s5, $0x0;
	s5 =	sld [smem:$0x3FAF]  }
0x2b: {  	s6 =	sld [smem:$0x3FB0]  }
0x2c: {  	s7 =	sld [smem:$0x3FB1]  }
0x2d: {  	s3 =	simm.s32 $0x108;
	s8 =	sld [smem:$0x3FB2]  }
0x2e: {  	s3 =	simm.s32 @!p0 $0x1082;
	s9 =	sld [smem:$0x3FB3]  }
0x2f: {  	lr =	sadd.s32 s0, s3;
	s0 =	sld [smem:$0x3FAA]  }
0x30: {  	s3 =	sld [smem:$0x3FAD]  }
0x31: {  	[smem:$0x3FB6] =	sst s10  }
0x32: {  	s10 =	sld [smem:$0x3FB4];
	_ =	sdelay $0x3  }
0x33: {  	p0 =	seq.s32 s10, $0x1;
	s10 =	sld [smem:$0x3FB6];
	_ =	sdelay $0x3  }
0x34: {  	[smem:$0x3FB6] =	sst s10  }
0x35: {  	s10 =	sld [smem:$0x3FB5];
	_ =	sdelay $0x3  }
0x36: {  	p1 =	seq.s32 s10, $0x1;
	s10 =	sld [smem:$0x3FB6];
	_ =	sdelay $0x3  }
0x37: {  	[smem:$0x3FB6] =	sst s10  }
0x38: {  	s10 =	sld [smem:$0x3FB7]  }
0x39: {  	_ = 	snop;
	(pc) =	sbr.ind lr, $3  }
0x3a: {  	_ = 	snop  }
0x3b: {  	_ = 	snop  }
0x3c: {  	p2 =	seq.s32 s10, $0x1;
	s10 =	sld [smem:$0x3FB6]  }
0x3d: {  	_ =	shalt  }
0x3e: {  	_ =	shalt  }
0x3f: {  	_ =	shalt  }
0x40: {  	_ =	shalt  }
0x41: {  	_ =	shalt  }
0x42: {  	_ =	shalt  }
0x43: {  	_ =	shalt  }
0x44: {  	_ =	shalt  }
0x45: {  	_ =	shalt  }
0x46: {  	_ =	shalt  }
0x47: {  	_ =	shalt  }
0x48: {  	_ =	shalt  }
0x49: {  	_ =	shalt  }
0x4a: {  	_ =	shalt  }
0x4b: {  	_ =	shalt  }
0x4c: {  	_ =	shalt  }
0x4d: {  	_ =	shalt  }
0x4e: {  	_ =	shalt  }
0x4f: {  	_ =	shalt  }
0x50: {  	_ =	shalt  }
0x51: {  	_ =	shalt  }
0x52: {  	_ =	shalt  }
0x53: {  	_ =	shalt  }
0x54: {  	_ =	shalt  }
0x55: {  	_ =	shalt  }
0x56: {  	_ =	shalt  }
0x57: {  	_ =	shalt  }
0x58: {  	_ =	shalt  }
0x59: {  	_ =	shalt  }
0x5a: {  	_ =	shalt  }
0x5b: {  	_ =	shalt  }
0x5c: {  	_ =	shalt  }
0x5d: {  	_ =	shalt  }
0x5e: {  	_ =	shalt  }
0x5f: {  	_ =	shalt  }
0x60: {  	_ =	shalt  }
0x61: {  	_ =	shalt  }
0x62: {  	_ =	shalt  }
0x63: {  	_ =	shalt  }
0x64: {  	_ =	shalt  }
0x65: {  	_ =	shalt  }
0x66: {  	_ =	shalt  }
0x67: {  	_ =	shalt  }
0x68: {  	_ =	shalt  }
0x69: {  	_ =	shalt  }
0x6a: {  	_ =	shalt  }
0x6b: {  	_ =	shalt  }
0x6c: {  	_ =	shalt  }
0x6d: {  	_ =	shalt  }
0x6e: {  	_ =	shalt  }
0x6f: {  	_ =	shalt  }
0x70: {  	_ =	shalt  }
0x71: {  	_ =	shalt  }
0x72: {  	_ =	shalt  }
0x73: {  	_ =	shalt  }
0x74: {  	_ =	shalt  }
0x75: {  	_ =	shalt  }
0x76: {  	_ =	shalt  }
0x77: {  	_ =	shalt  }
0x78: {  	_ =	shalt  }
0x79: {  	_ =	shalt  }
0x7a: {  	_ =	shalt  }
0x7b: {  	_ =	shalt  }
0x7c: {  	_ =	shalt  }
0x7d: {  	_ =	shalt  }
0x7e: {  	_ =	shalt  }
0x7f: {  	_ =	shalt  }
0x80: {  	_ =	shalt  }
0x81: {  	_ =	shalt  }
0x82: {  	_ =	shalt  }
0x83: {  	_ =	shalt  }
0x84: {  	_ =	shalt  }
0x85: {  	_ =	shalt  }
0x86: {  	_ =	shalt  }
0x87: {  	_ =	shalt  }
.Lfunc_end0:
.L_simem_size_0:
called_computation_lowered:
.L_overlay_start_0:
0x88: {  	s2 =	sld [smem:$0x3FD9]  }
0x89: {  	s3 =	sld [smem:$0x3FFE];
	_ =	sdelay $0x1  }
0x8a: {  	s1 =	srdreg.scid  }
0x8b: {  	s0 =	sand.u32 $0x1, s1  }
0x8c: {  	s17 =	sshll.u32 s0, $0xA;
	s2 =	sadd.s32 s3, s2  }
0x8d: {  	s2 =	sadd.s32 s2, s17  }
0x8e: {  	[smem:$0x3FC2] =	sst s2  }
0x8f: {  	_ = 	snop  }
0x90: {  	s2 =	sld [smem:$0x3FD0];
	(tm) =	ssettm $0x1  }
0x91: {  	s18 =	sld [smem:$0x3FFB];
	_ =	sdelay $0x3  }
0x92: {  	_ =	strace s18  }
0x93: {  	s3 =	sld [smem:$0x3FFC];
	_ =	sdelay $0x3  }
0x94: {  	_ =	strace s3  }
0x95: {  	s3 =	sld [smem:$0x3FFD];
	_ =	sdelay $0x3  }
0x96: {  	_ =	strace s3  }
0x97: {  	_ =	strace $0x8FFFFFFF  }
0x98: {  	s19 =	sld [smem:$0x3FDB];
	_ =	sdelay $0x1  }
0x99: {  	s4 =	simm.s32 $_scs_section_size  }
0x9a: {  	s5 =	simm.s32 $_size__tile_overlayer_lowered;
	s6 =	simm.s32 $_tile_overlayer_lowered  }
0x9b: {  	s22 =	simm.s32 $0x1BFF;
	s21 =	sshll.u32 s6, $0x1;
	s3 =	sadd.s32 s4, s19  }
0x9c: {  	s7 =	simm.s32 $0x0;
	s20 =	sshll.u32 s5, $0x1;
	s5 =	sadd.s32 s21, s3  }
0x9d: {  	[timem:s7], [sflag:s22] =	dma.local [hbm:s5], s20  }
0x9e: {  	_ =	swait.ge [sflag:s22], s20  }
0x9f: {  	s4 =	ssub.s32 $0x0, s20;
	[sflag:s22] =	ssyncset.done $0x0  }
0xa0: {  	[sflag:s22] =	ssyncadd.s32 s4;
	_ =	sdelay $0x1  }
0xa1: {  	s23 =	simm.s32 $0x1B8B  }
0xa2: {  	_ =	swait.ge [sflag:s23], $0x1  }
0xa3: {  	[sflag:s23] =	ssyncset.done $0x0  }
0xa4: {  	s25 =	simm.s32 $0x1B8E;
	s24 =	sld [smem:$0x3FFE];
	[sflag:s23] =	ssyncadd.s32 $0xFFFFFFFF  }
0xa5: {  	s26 =	simm.s32 $execute0_lowered;
	[smem:$0x3FD2] =	sst s25  }
0xa6: {  	s5 =	sshll.u32 s26, $0x1;
	_ =	strace $0x80000046;
	[dreg:$0x1] =	wrdreg $0xFFFFFFFF  }
0xa7: {  	s28 =	simm.s32 $_size_execute0_lowered;
	s3 =	sadd.s32 s3, s5;
	[dreg:$0x0] =	wrdreg $0x0  }
0xa8: {  	s5 =	sshll.u32 s28, $0x1;
	[dreg:$0x2] =	wrdreg s3  }
0xa9: {  	[dreg:$0x3] =	wrdreg s5  }
0xaa: {  	[dreg:$0x4] =	wrdreg $0xC0  }
0xab: {  	_ =	task [dreg:s7], $0x5FFFF  }
0xac: {  	[dreg:$0x1] =	wrdreg $0xFFFFFFFF  }
0xad: {  	[dreg:$0x0] =	wrdreg $0x60  }
0xae: {  	[dreg:$0x2] =	wrdreg s24  }
0xaf: {  	[dreg:$0x3] =	wrdreg s2  }
0xb0: {  	[dreg:$0x4] =	wrdreg $0x9  }
0xb1: {  	_ =	task.clear_ibuf [dreg:s7], $0x5FFFF;
	_ =	strace $0x90000046  }
0xb2: {  	s29 =	simm.s32 $0x9;
	_ =	strace $0x80000048  }
0xb3: {  	_ =	swait.ge [sflag:s29], $0x1  }
0xb4: {  	[sflag:s29] =	ssyncadd.s32 $0xFFFFFFFF  }
0xb5: {  	_ =	strace $0x90000048  }
0xb6: {  	_ =	sfence  }
0xb7: {  	s30 =	sld [smem:$0x0];
	_ =	sdelay $0x2  }
0xb8: {  	s31 =	sshll.u32 s1, $0xD;
	s1 =	sshrl.u32 s1, $0x2  }
0xb9: {  	s3 =	sand.u32 $0x4000, s31;
	s1 =	sadd.s32 s1, s30  }
0xba: {  	s0 =	sor.u32 s3, s0;
	s1 =	sshll.u32 s1, $0x11  }
0xbb: {  	s0 =	sor.u32 s1, s0  }
0xbc: {  	s0 =	sadd.s32 $0x8F2B, s0  }
0xbd: {  	[sflag:s0] =	ssyncadd.remote.s32 $0x1  }
0xbe: {  	_ =	sfence.sel $0xFFFF  }
0xbf: {  	[dreg:$0x0] =	wrdreg $0xFFFFFFFF;
	(pc) =	sbr.abs _section_cstart, $3  }
0xc0: {  	[dreg:$0x1] =	wrdreg $0xFFFFFFFF  }
0xc1: {  	_ =	task.clear_ibuf [dreg:s7], $0x2FFFF;
	_ =	strace $0x9FFFFFFF  }
0xc2: {  	(tm) =	ssettm $0x7FFFFFFF  }
0xc3: {  	_ =	shalt  }
tec
execute0_lowered:
.L_overlay_start_1:
0x0: {  	(tag) =	ssettag $0x1  }
0x1: {  	s1 =	srdreg.scid;
	s0 =	stileid.u32  }
0x2: {  	s6 =	sand.u32 $0x1, s1;
	s30 =	sshll.u32 s0, $0x1  }
0x3: {  	s5 =	rddreg [dreg:$0x0];
	s8 =	sor.u32 s6, s30  }
0x4: {  	s9 =	rddreg [dreg:$0x1];
	s2 =	simm.s32 $0x0;
	s3 =	smul.u32 $0x50, s8  }
0x5: {  	[smem:$0x7FF] =	sst s2  }
0x6: {  	s1 =	rddreg [dreg:$0x2];
	_ =	strace $0x80000047;
	s3 =	sadd.s32 s3, s5  }
0x7: {  	s10 =	ssub.s32 $0x2, s6;
	s4 =	sadd.s32 $0xA00, s3;
	s3 =	simm.s32 $0x2  }
0x8: {  	[tilespmem:s2], [sflag:$0x2] =	stream.linear.gather [hbm4b:s4+s2], $0x280, $0x38;
	[tilespmem:$0xA280] =	vst v63  }
0x9: {  	s7 =	simm.s32 $0x1;
	s11 =	sshrl.u32 s10, $0x1;
	_ =	swait.ge [sflag:s3], $0x280  }
0xa: {  	s6 =	simm.s32 $0x280;
	s10 =	ssub.s32 s10, s11;
	[sflag:s3] =	ssyncset.done $0x0  }
0xb: {  	s5 =	sadd.s32 $0x1400, s5;
	s31 =	smax.u32 s10, $0x1;
	[sflag:s3] =	ssyncadd.s32 $0xFFFFFD80  }
0xc: {  	[tilespmem:s6], [sflag:$0x1] =	stream.indirect.gather [hbm4b:s5+s6], $0x40, s2, s6, $0xb8;
	[tilespmem:$0xA280] =	vst v63  }
0xd: {  	s8 =	smul.u32 $0x1400, s8;
	p0 =	sne.s32 s31, $0x1;
	_ =	swait.ge [sflag:s7], $0xA000  }
.Ltmp0:
0xe: {  	[sflag:s7] =	ssyncset.done $0x0;
	(pc) =	sbr.rel @!p0 .LBB2_2-.Ltmp0, $4  }
0xf: {  	s8 =	sadd.s32 s9, s8;
	[sflag:s7] =	ssyncadd.s32 $0xFFFF6000  }
0x10: {  	[hbm4b:s8+s2] =	stream.linear.scatter [tilespmem:s6], [sflag:$0x2], $0xA000, $0x38;
	[tilespmem:$0xA280] =	vst v63  }
0x11: {  	_ =	swait.ge [sflag:s3], $0xA000  }
0x12: {  	s9 =	sadd.s32 $0xFFFFFFFF, s31;
	[sflag:s3] =	ssyncset.done $0x0  }
.LBB2_1:
0x13: {  	p0 =	sne.s32 s9, $0x1;
	s9 =	sadd.s32 $0xFFFFFFFF, s9;
	[sflag:s3] =	ssyncadd.s32 $0xFFFF6000  }
0x14: {  	[tilespmem:s2], [sflag:$0x2] =	stream.linear.gather [hbm4b:s4+s2], $0x280, $0x38;
	[tilespmem:$0xA280] =	vst v63  }
0x15: {  	_ =	swait.ge [sflag:s3], $0x280  }
0x16: {  	[sflag:s3] =	ssyncset.done $0x0  }
0x17: {  	[sflag:s3] =	ssyncadd.s32 $0xFFFFFD80  }
0x18: {  	[tilespmem:s6], [sflag:$0x1] =	stream.indirect.gather [hbm4b:s5+s6], $0x40, s2, s6, $0xb8;
	[tilespmem:$0xA280] =	vst v63  }
0x19: {  	_ =	swait.ge [sflag:s7], $0xA000  }
.Ltmp1:
0x1a: {  	[sflag:s7] =	ssyncset.done $0x0;
	(pc) =	sbr.rel @p0 .LBB2_1-.Ltmp1, $4  }
0x1b: {  	[sflag:s7] =	ssyncadd.s32 $0xFFFF6000  }
0x1c: {  	[hbm4b:s8+s2] =	stream.linear.scatter [tilespmem:s6], [sflag:$0x2], $0xA000, $0x38;
	[tilespmem:$0xA280] =	vst v63  }
0x1d: {  	_ =	swait.ge [sflag:s3], $0xA000  }
0x1e: {  	[sflag:s3] =	ssyncset.done $0x0  }
.LBB2_2:
0x1f: {  	[sflag:s3] =	ssyncadd.s32 $0xFFFF6000  }
0x20: {  	_ =	sfence.sel $0x180000  }
0x21: {  	[bflag:$0x0] =	sbarrier.arrive $0xFFFF  }
0x22: {  	p0 =	sne.s32 s0, $0x0;
	_ =	strace $0x90000047  }
0x23: {  	s0 =	sadd.s32 @!p0 $0x100000, s1;
	[bflag:$0x2] =	sbarrier.arrive $0xFFFF  }
0x24: {  	[sflag:s0] =	ssyncadd.tile.s32 @!p0 $0x1;
	_ =	shalt  }
.Lfunc_end2:
_tile_overlayer_lowered:
.L_overlay_start_2:
0x25: {  	(tag) =	ssettag $0x2  }
0x26: {  	s0 =	rddreg [dreg:$0x0];
	s2 =	stileid.u32  }
0x27: {  	s1 =	rddreg [dreg:$0x1];
	p0 =	sne.s32 s2, $0x0  }
0x28: {  	s3 =	rddreg [dreg:$0x2];
	[bflag:$0x3] =	sbarrier.arrive $0xFFFF;
	s2 =	simm.s32 @!p0 $0x1C02  }
0x29: {  	[timem:s3], [sflag:s2] =	dma.local @!p0 [hbm:s0], s1  }
0x2a: {  	s0 =	simm.s32 @!p0 $0x2  }
0x2b: {  	_ =	swait.ge @!p0 [sflag:s0], s1  }
0x2c: {  	s1 =	ssub.s32 @!p0 $0x0, s1;
	[sflag:s0] =	ssyncset.done @!p0 $0x0  }
0x2d: {  	[sflag:s0] =	ssyncadd.s32 @!p0 s1  }
0x2e: {  	[bflag:$0x3] =	sbarrier.arrive $0xFFFF  }
0x2f: {  	_ =	shalt  }

</sc_bundles>
